<compile_context>
chip_gen: v7x
topology: tpu7x:2x2x1
jax: 0.10.2.dev20260603
libtpu: 0.0.44.dev20260713+nightly
codegen_flags: <defaults>
</compile_context>

<pallas_src>
import functools

import jax
from jax import lax
import jax.numpy as jnp
from jax.experimental import pallas as pl
from jax.experimental.pallas import tpu as pltpu
from jax.experimental.pallas import tpu_sc as plsc

BATCH = 4096
HIST = 200
D_MODEL = 128
N_IDX = BATCH * HIST

NC, NS = 2, 16
NW = NC * NS
SLAB = N_IDX // NW
CHUNK = 200
NCHUNK = SLAB // CHUNK
NBUF = 4
LOOKAHEAD = 2

_mesh = plsc.VectorSubcoreMesh(core_axis_name="c", subcore_axis_name="s")


def _embed_gather(W, idx):
    @functools.partial(
        pl.kernel,
        out_type=jax.ShapeDtypeStruct((N_IDX, D_MODEL), W.dtype),
        mesh=_mesh,
        scratch_types=[
            pltpu.VMEM((SLAB,), jnp.int32),
            pltpu.VMEM((NBUF, CHUNK, D_MODEL), jnp.float32),
            pltpu.SemaphoreType.DMA,
        ]
        + [pltpu.SemaphoreType.DMA] * NBUF
        + [pltpu.SemaphoreType.DMA] * NBUF,
    )
    def k(w_hbm, i_hbm, o_hbm, idx_v, rows_v, isem, *sems):
        gsems = sems[:NBUF]
        osems = sems[NBUF:]
        wid = lax.axis_index("s") * NC + lax.axis_index("c")
        base = wid * SLAB

        pltpu.async_copy(i_hbm.at[pl.ds(base, SLAB)], idx_v, isem).wait()

        def gather(c, b):
            return pltpu.make_async_copy(
                w_hbm.at[idx_v.at[pl.ds(c * CHUNK, CHUNK)]],
                rows_v.at[b], gsems[b])

        def owrite(c, b):
            return pltpu.make_async_copy(
                rows_v.at[b],
                o_hbm.at[pl.ds(base + c * CHUNK, CHUNK)], osems[b])

        for b in range(LOOKAHEAD):
            gather(b, b).start()

        @pl.loop(0, NCHUNK, step=NBUF)
        def _(c0):
            for b in range(NBUF):
                c = c0 + b
                gather(c, b).wait()
                owrite(c, b).start()
                f = c + LOOKAHEAD
                fb = (b + LOOKAHEAD) % NBUF

                @pl.when(f < NCHUNK)
                def _():
                    @pl.when(f >= NBUF)
                    def _():
                        owrite(f - NBUF, fb).wait()

                    gather(f, fb).start()

        for b in range(NBUF):
            c = NCHUNK - NBUF + b
            owrite(c, b).wait()

    return k(W, idx)


def kernel(x, W):
    idx = x.reshape(N_IDX).astype(jnp.int32)
    out = _embed_gather(W, idx)
    return out.reshape(BATCH, HIST, D_MODEL)

# --- scband reference (transcript-rebuilt; emitter-appended) ---
"""Pipeline reference for scband-token-embed-42219528520052 (READ-ONLY COPY).

The authoritative reference and input builder live on the scoring server;
editing this copy changes nothing except your own understanding.
"""

import jax, jax.numpy as jnp
import numpy as np

N_TYPES = 100000
D_MODEL = 128
BATCH = 4096
HIST = 200

def setup_inputs(seed: int = 0) -> dict:
    key = jax.random.key(seed)
    k1, k2 = jax.random.split(key)
    x = jax.random.randint(k1, (BATCH, HIST), 0, N_TYPES)
    W = jax.random.normal(k2, (N_TYPES, D_MODEL), dtype=jnp.float32)
    return {"x": x, "W": W}

def reference(x, W):
    # forward: self.emb(x.clamp_min(0))
    idx = jnp.clip(x, 0, None)
    return jnp.take(W, idx, axis=0)

if __name__ == "__main__":
    import jax
    _d = setup_inputs()
    print(jax.jit(kernel)(*tuple(_d.values())))

</pallas_src>

<mosaic_0001>
#map = affine_map<(d0, d1) -> (0, 0)>
#map1 = affine_map<(d0, d1) -> (0)>
module attributes {stable_mosaic.version = 14 : i64} {
  func.func @k(%arg0: i32, %arg1: i32, %arg2: memref<100000x128xf32, #tpu.memory_space<hbm>>, %arg3: memref<819200xi32, #tpu.memory_space<hbm>>, %arg4: memref<819200x128xf32, #tpu.memory_space<hbm>>, %arg5: memref<25600xi32, #tpu.memory_space<vmem>>, %arg6: memref<4x200x128xf32, #tpu.memory_space<vmem>>, %arg7: memref<!tpu.dma_semaphore, #tpu.memory_space<semaphore_mem>>, %arg8: memref<!tpu.dma_semaphore, #tpu.memory_space<semaphore_mem>>, %arg9: memref<!tpu.dma_semaphore, #tpu.memory_space<semaphore_mem>>, %arg10: memref<!tpu.dma_semaphore, #tpu.memory_space<semaphore_mem>>, %arg11: memref<!tpu.dma_semaphore, #tpu.memory_space<semaphore_mem>>, %arg12: memref<!tpu.dma_semaphore, #tpu.memory_space<semaphore_mem>>, %arg13: memref<!tpu.dma_semaphore, #tpu.memory_space<semaphore_mem>>, %arg14: memref<!tpu.dma_semaphore, #tpu.memory_space<semaphore_mem>>, %arg15: memref<!tpu.dma_semaphore, #tpu.memory_space<semaphore_mem>>) attributes {dimension_semantics = [#tpu.dimension_semantics<core_parallel>, #tpu.dimension_semantics<subcore_parallel>], iteration_bounds = array<i64: 2, 16>, scalar_prefetch = 0 : i64, scratch_operands = 11 : i64, tpu.core_type = #tpu.core_type<sc_vector_subcore>, window_params = [{transform_indices = #map}, {transform_indices = #map1}, {transform_indices = #map}]} {
    %mul3A = arith.constant 2 : i32
    %mul3A_0 = arith.muli %arg1, %mul3A : i32
    %add3A = arith.addi %mul3A_0, %arg0 : i32
    %mul3A_1 = arith.constant 25600 : i32
    %mul3A_2 = arith.muli %add3A, %mul3A_1 : i32
    %dma_start3A = tpu.memref_slice %arg3[%mul3A_2] : memref<819200xi32, #tpu.memory_space<hbm>> -> memref<25600xi32, #tpu.memory_space<hbm>>
    %dma_start3A_3 = tpu.memref_slice %arg3[%mul3A_2] : memref<819200xi32, #tpu.memory_space<hbm>> -> memref<25600xi32, #tpu.memory_space<hbm>>
    tpu.enqueue_dma source(%dma_start3A_3 : memref<25600xi32, #tpu.memory_space<hbm>>) target(%arg5 : memref<25600xi32, #tpu.memory_space<vmem>>) target_semaphore(%arg7 : memref<!tpu.dma_semaphore, #tpu.memory_space<semaphore_mem>>)
    %dma_wait3A = tpu.memref_slice %arg3[%mul3A_2] : memref<819200xi32, #tpu.memory_space<hbm>> -> memref<25600xi32, #tpu.memory_space<hbm>>
    %dma_wait3A_4 = tpu.memref_slice %arg3[%mul3A_2] : memref<819200xi32, #tpu.memory_space<hbm>> -> memref<25600xi32, #tpu.memory_space<hbm>>
    tpu.wait_dma2 semaphore(%arg7 : memref<!tpu.dma_semaphore, #tpu.memory_space<semaphore_mem>>) src(%dma_wait3A_4 : memref<25600xi32, #tpu.memory_space<hbm>>) dst(%arg5 : memref<25600xi32, #tpu.memory_space<vmem>>)
    %dma_start3A_5 = arith.constant 0 : i32
    %dma_start3A_6 = arith.constant 0 : i32
    %dma_start3A_7 = arith.constant 0 : i32
    %dma_start3A_8 = tpu.memref_slice %arg6[%dma_start3A_5, %dma_start3A_6, %dma_start3A_7] : memref<4x200x128xf32, #tpu.memory_space<vmem>> -> memref<1x200x128xf32, #tpu.memory_space<vmem>>
    %dma_start3A_9 = tpu.memref_squeeze %dma_start3A_8 : memref<1x200x128xf32, #tpu.memory_space<vmem>> -> memref<200x128xf32, #tpu.memory_space<vmem>>
    %dma_start3A_10 = arith.constant 0 : i32
    %dma_start3A_11 = tpu.memref_slice %arg5[%dma_start3A_10] : memref<25600xi32, #tpu.memory_space<vmem>> -> memref<200xi32, #tpu.memory_space<vmem>>
    %dma_start3A_12 = arith.constant 0 : i32
    %dma_start3A_13 = arith.constant 0 : i32
    %dma_start3A_14 = tpu.memref_slice %arg2[%dma_start3A_12, %dma_start3A_13] : memref<100000x128xf32, #tpu.memory_space<hbm>> -> memref<100000x128xf32, #tpu.memory_space<hbm>>
    tpu.enqueue_indirect_dma source(%dma_start3A_14 : memref<100000x128xf32, #tpu.memory_space<hbm>>) target(%dma_start3A_9 : memref<200x128xf32, #tpu.memory_space<vmem>>) offsets(%dma_start3A_11 : memref<200xi32, #tpu.memory_space<vmem>>) semaphore(%arg8 : memref<!tpu.dma_semaphore, #tpu.memory_space<semaphore_mem>>)
    %dma_start3A_15 = arith.constant 1 : i32
    %dma_start3A_16 = arith.constant 0 : i32
    %dma_start3A_17 = arith.constant 0 : i32
    %dma_start3A_18 = tpu.memref_slice %arg6[%dma_start3A_15, %dma_start3A_16, %dma_start3A_17] : memref<4x200x128xf32, #tpu.memory_space<vmem>> -> memref<1x200x128xf32, #tpu.memory_space<vmem>>
    %dma_start3A_19 = tpu.memref_squeeze %dma_start3A_18 : memref<1x200x128xf32, #tpu.memory_space<vmem>> -> memref<200x128xf32, #tpu.memory_space<vmem>>
    %dma_start3A_20 = arith.constant 200 : i32
    %dma_start3A_21 = tpu.memref_slice %arg5[%dma_start3A_20] : memref<25600xi32, #tpu.memory_space<vmem>> -> memref<200xi32, #tpu.memory_space<vmem>>
    %dma_start3A_22 = arith.constant 0 : i32
    %dma_start3A_23 = arith.constant 0 : i32
    %dma_start3A_24 = tpu.memref_slice %arg2[%dma_start3A_22, %dma_start3A_23] : memref<100000x128xf32, #tpu.memory_space<hbm>> -> memref<100000x128xf32, #tpu.memory_space<hbm>>
    tpu.enqueue_indirect_dma source(%dma_start3A_24 : memref<100000x128xf32, #tpu.memory_space<hbm>>) target(%dma_start3A_19 : memref<200x128xf32, #tpu.memory_space<vmem>>) offsets(%dma_start3A_21 : memref<200xi32, #tpu.memory_space<vmem>>) semaphore(%arg9 : memref<!tpu.dma_semaphore, #tpu.memory_space<semaphore_mem>>)
    %scan3A = arith.constant 0 : i32
    %scan3A_25 = arith.constant 32 : i32
    %scan3A_26 = arith.addi %scan3A, %scan3A_25 : i32
    %scan3A_27 = arith.constant 1 : i32
    scf.for %scan3A_89 = %scan3A to %scan3A_26 step %scan3A_27  : i32 {
      %mul3A_90 = arith.constant 4 : i32
      %mul3A_91 = arith.muli %scan3A_89, %mul3A_90 : i32
      %add3A_92 = arith.constant 0 : i32
      %add3A_93 = arith.addi %add3A_92, %mul3A_91 : i32
      %add3A_94 = arith.constant 0 : i32
      %add3A_95 = arith.addi %add3A_93, %add3A_94 : i32
      %mul3A_96 = arith.constant 200 : i32
      %mul3A_97 = arith.muli %add3A_95, %mul3A_96 : i32
      %dma_wait3A_98 = arith.constant 0 : i32
      %dma_wait3A_99 = arith.constant 0 : i32
      %dma_wait3A_100 = arith.constant 0 : i32
      %dma_wait3A_101 = tpu.memref_slice %arg6[%dma_wait3A_98, %dma_wait3A_99, %dma_wait3A_100] : memref<4x200x128xf32, #tpu.memory_space<vmem>> -> memref<1x200x128xf32, #tpu.memory_space<vmem>>
      %dma_wait3A_102 = tpu.memref_squeeze %dma_wait3A_101 : memref<1x200x128xf32, #tpu.memory_space<vmem>> -> memref<200x128xf32, #tpu.memory_space<vmem>>
      %dma_wait3A_103 = tpu.memref_slice %arg5[%mul3A_97] : memref<25600xi32, #tpu.memory_space<vmem>> -> memref<200xi32, #tpu.memory_space<vmem>>
      %dma_wait3A_104 = arith.constant 0 : i32
      %dma_wait3A_105 = arith.constant 0 : i32
      %dma_wait3A_106 = tpu.memref_slice %arg2[%dma_wait3A_104, %dma_wait3A_105] : memref<100000x128xf32, #tpu.memory_space<hbm>> -> memref<100000x128xf32, #tpu.memory_space<hbm>>
      tpu.wait_indirect_dma semaphore(%arg8 : memref<!tpu.dma_semaphore, #tpu.memory_space<semaphore_mem>>) src(%dma_wait3A_106 : memref<100000x128xf32, #tpu.memory_space<hbm>>) dst(%dma_wait3A_102 : memref<200x128xf32, #tpu.memory_space<vmem>>)
      %mul3A_107 = arith.constant 200 : i32
      %mul3A_108 = arith.muli %add3A_95, %mul3A_107 : i32
      %add3A_109 = arith.addi %mul3A_2, %mul3A_108 : i32
      %dma_start3A_110 = arith.constant 0 : i32
      %dma_start3A_111 = arith.constant 0 : i32
      %dma_start3A_112 = arith.constant 0 : i32
      %dma_start3A_113 = tpu.memref_slice %arg6[%dma_start3A_110, %dma_start3A_111, %dma_start3A_112] : memref<4x200x128xf32, #tpu.memory_space<vmem>> -> memref<1x200x128xf32, #tpu.memory_space<vmem>>
      %dma_start3A_114 = tpu.memref_squeeze %dma_start3A_113 : memref<1x200x128xf32, #tpu.memory_space<vmem>> -> memref<200x128xf32, #tpu.memory_space<vmem>>
      %dma_start3A_115 = arith.constant 0 : i32
      %dma_start3A_116 = tpu.memref_slice %arg4[%add3A_109, %dma_start3A_115] : memref<819200x128xf32, #tpu.memory_space<hbm>> -> memref<200x128xf32, #tpu.memory_space<hbm>>
      %dma_start3A_117 = arith.constant 0 : i32
      %dma_start3A_118 = tpu.memref_slice %arg4[%add3A_109, %dma_start3A_117] : memref<819200x128xf32, #tpu.memory_space<hbm>> -> memref<200x128xf32, #tpu.memory_space<hbm>>
      %dma_start3A_119 = arith.constant 0 : i32
      %dma_start3A_120 = arith.constant 0 : i32
      %dma_start3A_121 = tpu.memref_slice %arg6[%dma_start3A_110, %dma_start3A_119, %dma_start3A_120] : memref<4x200x128xf32, #tpu.memory_space<vmem>> -> memref<1x200x128xf32, #tpu.memory_space<vmem>>
      %dma_start3A_122 = tpu.memref_squeeze %dma_start3A_121 : memref<1x200x128xf32, #tpu.memory_space<vmem>> -> memref<200x128xf32, #tpu.memory_space<vmem>>
      tpu.enqueue_dma source(%dma_start3A_122 : memref<200x128xf32, #tpu.memory_space<vmem>>) target(%dma_start3A_118 : memref<200x128xf32, #tpu.memory_space<hbm>>) target_semaphore(%arg12 : memref<!tpu.dma_semaphore, #tpu.memory_space<semaphore_mem>>)
      %add3A_123 = arith.constant 2 : i32
      %add3A_124 = arith.addi %add3A_95, %add3A_123 : i32
      %lt3A = arith.constant 128 : i32
      %lt3A_125 = arith.cmpi slt, %add3A_124, %lt3A : i32
      %convert_element_type3A = arith.extui %lt3A_125 : i1 to i32
      %cond3A = arith.constant 0 : i32
      %cond3A_126 = arith.cmpi ne, %convert_element_type3A, %cond3A : i32
      scf.if %cond3A_126 {
        %ge3A = arith.constant 4 : i32
        %ge3A_235 = arith.cmpi sge, %add3A_124, %ge3A : i32
        %convert_element_type3A_236 = arith.extui %ge3A_235 : i1 to i32
        %cond3A_237 = arith.constant 0 : i32
        %cond3A_238 = arith.cmpi ne, %convert_element_type3A_236, %cond3A_237 : i32
        scf.if %cond3A_238 {
          %sub3A = arith.constant 4 : i32
          %sub3A_250 = arith.subi %add3A_124, %sub3A : i32
          %mul3A_251 = arith.constant 200 : i32
          %mul3A_252 = arith.muli %sub3A_250, %mul3A_251 : i32
          %add3A_253 = arith.addi %mul3A_2, %mul3A_252 : i32
          %dma_wait3A_254 = arith.constant 2 : i32
          %dma_wait3A_255 = arith.constant 0 : i32
          %dma_wait3A_256 = arith.constant 0 : i32
          %dma_wait3A_257 = tpu.memref_slice %arg6[%dma_wait3A_254, %dma_wait3A_255, %dma_wait3A_256] : memref<4x200x128xf32, #tpu.memory_space<vmem>> -> memref<1x200x128xf32, #tpu.memory_space<vmem>>
          %dma_wait3A_258 = tpu.memref_squeeze %dma_wait3A_257 : memref<1x200x128xf32, #tpu.memory_space<vmem>> -> memref<200x128xf32, #tpu.memory_space<vmem>>
          %dma_wait3A_259 = arith.constant 0 : i32
          %dma_wait3A_260 = tpu.memref_slice %arg4[%add3A_253, %dma_wait3A_259] : memref<819200x128xf32, #tpu.memory_space<hbm>> -> memref<200x128xf32, #tpu.memory_space<hbm>>
          %dma_wait3A_261 = arith.constant 0 : i32
          %dma_wait3A_262 = tpu.memref_slice %arg4[%add3A_253, %dma_wait3A_261] : memref<819200x128xf32, #tpu.memory_space<hbm>> -> memref<200x128xf32, #tpu.memory_space<hbm>>
          %dma_wait3A_263 = arith.constant 0 : i32
          %dma_wait3A_264 = arith.constant 0 : i32
          %dma_wait3A_265 = tpu.memref_slice %arg6[%dma_wait3A_254, %dma_wait3A_263, %dma_wait3A_264] : memref<4x200x128xf32, #tpu.memory_space<vmem>> -> memref<1x200x128xf32, #tpu.memory_space<vmem>>
          %dma_wait3A_266 = tpu.memref_squeeze %dma_wait3A_265 : memref<1x200x128xf32, #tpu.memory_space<vmem>> -> memref<200x128xf32, #tpu.memory_space<vmem>>
          tpu.wait_dma2 semaphore(%arg14 : memref<!tpu.dma_semaphore, #tpu.memory_space<semaphore_mem>>) src(%dma_wait3A_266 : memref<200x128xf32, #tpu.memory_space<vmem>>) dst(%dma_wait3A_262 : memref<200x128xf32, #tpu.memory_space<hbm>>)
        } else {
        }
        %mul3A_239 = arith.constant 200 : i32
        %mul3A_240 = arith.muli %add3A_124, %mul3A_239 : i32
        %dma_start3A_241 = arith.constant 2 : i32
        %dma_start3A_242 = arith.constant 0 : i32
        %dma_start3A_243 = arith.constant 0 : i32
        %dma_start3A_244 = tpu.memref_slice %arg6[%dma_start3A_241, %dma_start3A_242, %dma_start3A_243] : memref<4x200x128xf32, #tpu.memory_space<vmem>> -> memref<1x200x128xf32, #tpu.memory_space<vmem>>
        %dma_start3A_245 = tpu.memref_squeeze %dma_start3A_244 : memref<1x200x128xf32, #tpu.memory_space<vmem>> -> memref<200x128xf32, #tpu.memory_space<vmem>>
        %dma_start3A_246 = tpu.memref_slice %arg5[%mul3A_240] : memref<25600xi32, #tpu.memory_space<vmem>> -> memref<200xi32, #tpu.memory_space<vmem>>
        %dma_start3A_247 = arith.constant 0 : i32
        %dma_start3A_248 = arith.constant 0 : i32
        %dma_start3A_249 = tpu.memref_slice %arg2[%dma_start3A_247, %dma_start3A_248] : memref<100000x128xf32, #tpu.memory_space<hbm>> -> memref<100000x128xf32, #tpu.memory_space<hbm>>
        tpu.enqueue_indirect_dma source(%dma_start3A_249 : memref<100000x128xf32, #tpu.memory_space<hbm>>) target(%dma_start3A_245 : memref<200x128xf32, #tpu.memory_space<vmem>>) offsets(%dma_start3A_246 : memref<200xi32, #tpu.memory_space<vmem>>) semaphore(%arg10 : memref<!tpu.dma_semaphore, #tpu.memory_space<semaphore_mem>>)
      } else {
      }
      %add3A_127 = arith.constant 1 : i32
      %add3A_128 = arith.addi %add3A_93, %add3A_127 : i32
      %mul3A_129 = arith.constant 200 : i32
      %mul3A_130 = arith.muli %add3A_128, %mul3A_129 : i32
      %dma_wait3A_131 = arith.constant 1 : i32
      %dma_wait3A_132 = arith.constant 0 : i32
      %dma_wait3A_133 = arith.constant 0 : i32
      %dma_wait3A_134 = tpu.memref_slice %arg6[%dma_wait3A_131, %dma_wait3A_132, %dma_wait3A_133] : memref<4x200x128xf32, #tpu.memory_space<vmem>> -> memref<1x200x128xf32, #tpu.memory_space<vmem>>
      %dma_wait3A_135 = tpu.memref_squeeze %dma_wait3A_134 : memref<1x200x128xf32, #tpu.memory_space<vmem>> -> memref<200x128xf32, #tpu.memory_space<vmem>>
      %dma_wait3A_136 = tpu.memref_slice %arg5[%mul3A_130] : memref<25600xi32, #tpu.memory_space<vmem>> -> memref<200xi32, #tpu.memory_space<vmem>>
      %dma_wait3A_137 = arith.constant 0 : i32
      %dma_wait3A_138 = arith.constant 0 : i32
      %dma_wait3A_139 = tpu.memref_slice %arg2[%dma_wait3A_137, %dma_wait3A_138] : memref<100000x128xf32, #tpu.memory_space<hbm>> -> memref<100000x128xf32, #tpu.memory_space<hbm>>
      tpu.wait_indirect_dma semaphore(%arg9 : memref<!tpu.dma_semaphore, #tpu.memory_space<semaphore_mem>>) src(%dma_wait3A_139 : memref<100000x128xf32, #tpu.memory_space<hbm>>) dst(%dma_wait3A_135 : memref<200x128xf32, #tpu.memory_space<vmem>>)
      %mul3A_140 = arith.constant 200 : i32
      %mul3A_141 = arith.muli %add3A_128, %mul3A_140 : i32
      %add3A_142 = arith.addi %mul3A_2, %mul3A_141 : i32
      %dma_start3A_143 = arith.constant 1 : i32
      %dma_start3A_144 = arith.constant 0 : i32
      %dma_start3A_145 = arith.constant 0 : i32
      %dma_start3A_146 = tpu.memref_slice %arg6[%dma_start3A_143, %dma_start3A_144, %dma_start3A_145] : memref<4x200x128xf32, #tpu.memory_space<vmem>> -> memref<1x200x128xf32, #tpu.memory_space<vmem>>
      %dma_start3A_147 = tpu.memref_squeeze %dma_start3A_146 : memref<1x200x128xf32, #tpu.memory_space<vmem>> -> memref<200x128xf32, #tpu.memory_space<vmem>>
      %dma_start3A_148 = arith.constant 0 : i32
      %dma_start3A_149 = tpu.memref_slice %arg4[%add3A_142, %dma_start3A_148] : memref<819200x128xf32, #tpu.memory_space<hbm>> -> memref<200x128xf32, #tpu.memory_space<hbm>>
      %dma_start3A_150 = arith.constant 0 : i32
      %dma_start3A_151 = tpu.memref_slice %arg4[%add3A_142, %dma_start3A_150] : memref<819200x128xf32, #tpu.memory_space<hbm>> -> memref<200x128xf32, #tpu.memory_space<hbm>>
      %dma_start3A_152 = arith.constant 0 : i32
      %dma_start3A_153 = arith.constant 0 : i32
      %dma_start3A_154 = tpu.memref_slice %arg6[%dma_start3A_143, %dma_start3A_152, %dma_start3A_153] : memref<4x200x128xf32, #tpu.memory_space<vmem>> -> memref<1x200x128xf32, #tpu.memory_space<vmem>>
      %dma_start3A_155 = tpu.memref_squeeze %dma_start3A_154 : memref<1x200x128xf32, #tpu.memory_space<vmem>> -> memref<200x128xf32, #tpu.memory_space<vmem>>
      tpu.enqueue_dma source(%dma_start3A_155 : memref<200x128xf32, #tpu.memory_space<vmem>>) target(%dma_start3A_151 : memref<200x128xf32, #tpu.memory_space<hbm>>) target_semaphore(%arg13 : memref<!tpu.dma_semaphore, #tpu.memory_space<semaphore_mem>>)
      %add3A_156 = arith.constant 2 : i32
      %add3A_157 = arith.addi %add3A_128, %add3A_156 : i32
      %lt3A_158 = arith.constant 128 : i32
      %lt3A_159 = arith.cmpi slt, %add3A_157, %lt3A_158 : i32
      %convert_element_type3A_160 = arith.extui %lt3A_159 : i1 to i32
      %cond3A_161 = arith.constant 0 : i32
      %cond3A_162 = arith.cmpi ne, %convert_element_type3A_160, %cond3A_161 : i32
      scf.if %cond3A_162 {
        %ge3A = arith.constant 4 : i32
        %ge3A_235 = arith.cmpi sge, %add3A_157, %ge3A : i32
        %convert_element_type3A_236 = arith.extui %ge3A_235 : i1 to i32
        %cond3A_237 = arith.constant 0 : i32
        %cond3A_238 = arith.cmpi ne, %convert_element_type3A_236, %cond3A_237 : i32
        scf.if %cond3A_238 {
          %sub3A = arith.constant 4 : i32
          %sub3A_250 = arith.subi %add3A_157, %sub3A : i32
          %mul3A_251 = arith.constant 200 : i32
          %mul3A_252 = arith.muli %sub3A_250, %mul3A_251 : i32
          %add3A_253 = arith.addi %mul3A_2, %mul3A_252 : i32
          %dma_wait3A_254 = arith.constant 3 : i32
          %dma_wait3A_255 = arith.constant 0 : i32
          %dma_wait3A_256 = arith.constant 0 : i32
          %dma_wait3A_257 = tpu.memref_slice %arg6[%dma_wait3A_254, %dma_wait3A_255, %dma_wait3A_256] : memref<4x200x128xf32, #tpu.memory_space<vmem>> -> memref<1x200x128xf32, #tpu.memory_space<vmem>>
          %dma_wait3A_258 = tpu.memref_squeeze %dma_wait3A_257 : memref<1x200x128xf32, #tpu.memory_space<vmem>> -> memref<200x128xf32, #tpu.memory_space<vmem>>
          %dma_wait3A_259 = arith.constant 0 : i32
          %dma_wait3A_260 = tpu.memref_slice %arg4[%add3A_253, %dma_wait3A_259] : memref<819200x128xf32, #tpu.memory_space<hbm>> -> memref<200x128xf32, #tpu.memory_space<hbm>>
          %dma_wait3A_261 = arith.constant 0 : i32
          %dma_wait3A_262 = tpu.memref_slice %arg4[%add3A_253, %dma_wait3A_261] : memref<819200x128xf32, #tpu.memory_space<hbm>> -> memref<200x128xf32, #tpu.memory_space<hbm>>
          %dma_wait3A_263 = arith.constant 0 : i32
          %dma_wait3A_264 = arith.constant 0 : i32
          %dma_wait3A_265 = tpu.memref_slice %arg6[%dma_wait3A_254, %dma_wait3A_263, %dma_wait3A_264] : memref<4x200x128xf32, #tpu.memory_space<vmem>> -> memref<1x200x128xf32, #tpu.memory_space<vmem>>
          %dma_wait3A_266 = tpu.memref_squeeze %dma_wait3A_265 : memref<1x200x128xf32, #tpu.memory_space<vmem>> -> memref<200x128xf32, #tpu.memory_space<vmem>>
          tpu.wait_dma2 semaphore(%arg15 : memref<!tpu.dma_semaphore, #tpu.memory_space<semaphore_mem>>) src(%dma_wait3A_266 : memref<200x128xf32, #tpu.memory_space<vmem>>) dst(%dma_wait3A_262 : memref<200x128xf32, #tpu.memory_space<hbm>>)
        } else {
        }
        %mul3A_239 = arith.constant 200 : i32
        %mul3A_240 = arith.muli %add3A_157, %mul3A_239 : i32
        %dma_start3A_241 = arith.constant 3 : i32
        %dma_start3A_242 = arith.constant 0 : i32
        %dma_start3A_243 = arith.constant 0 : i32
        %dma_start3A_244 = tpu.memref_slice %arg6[%dma_start3A_241, %dma_start3A_242, %dma_start3A_243] : memref<4x200x128xf32, #tpu.memory_space<vmem>> -> memref<1x200x128xf32, #tpu.memory_space<vmem>>
        %dma_start3A_245 = tpu.memref_squeeze %dma_start3A_244 : memref<1x200x128xf32, #tpu.memory_space<vmem>> -> memref<200x128xf32, #tpu.memory_space<vmem>>
        %dma_start3A_246 = tpu.memref_slice %arg5[%mul3A_240] : memref<25600xi32, #tpu.memory_space<vmem>> -> memref<200xi32, #tpu.memory_space<vmem>>
        %dma_start3A_247 = arith.constant 0 : i32
        %dma_start3A_248 = arith.constant 0 : i32
        %dma_start3A_249 = tpu.memref_slice %arg2[%dma_start3A_247, %dma_start3A_248] : memref<100000x128xf32, #tpu.memory_space<hbm>> -> memref<100000x128xf32, #tpu.memory_space<hbm>>
        tpu.enqueue_indirect_dma source(%dma_start3A_249 : memref<100000x128xf32, #tpu.memory_space<hbm>>) target(%dma_start3A_245 : memref<200x128xf32, #tpu.memory_space<vmem>>) offsets(%dma_start3A_246 : memref<200xi32, #tpu.memory_space<vmem>>) semaphore(%arg11 : memref<!tpu.dma_semaphore, #tpu.memory_space<semaphore_mem>>)
      } else {
      }
      %add3A_163 = arith.constant 2 : i32
      %add3A_164 = arith.addi %add3A_93, %add3A_163 : i32
      %mul3A_165 = arith.constant 200 : i32
      %mul3A_166 = arith.muli %add3A_164, %mul3A_165 : i32
      %dma_wait3A_167 = arith.constant 2 : i32
      %dma_wait3A_168 = arith.constant 0 : i32
      %dma_wait3A_169 = arith.constant 0 : i32
      %dma_wait3A_170 = tpu.memref_slice %arg6[%dma_wait3A_167, %dma_wait3A_168, %dma_wait3A_169] : memref<4x200x128xf32, #tpu.memory_space<vmem>> -> memref<1x200x128xf32, #tpu.memory_space<vmem>>
      %dma_wait3A_171 = tpu.memref_squeeze %dma_wait3A_170 : memref<1x200x128xf32, #tpu.memory_space<vmem>> -> memref<200x128xf32, #tpu.memory_space<vmem>>
      %dma_wait3A_172 = tpu.memref_slice %arg5[%mul3A_166] : memref<25600xi32, #tpu.memory_space<vmem>> -> memref<200xi32, #tpu.memory_space<vmem>>
      %dma_wait3A_173 = arith.constant 0 : i32
      %dma_wait3A_174 = arith.constant 0 : i32
      %dma_wait3A_175 = tpu.memref_slice %arg2[%dma_wait3A_173, %dma_wait3A_174] : memref<100000x128xf32, #tpu.memory_space<hbm>> -> memref<100000x128xf32, #tpu.memory_space<hbm>>
      tpu.wait_indirect_dma semaphore(%arg10 : memref<!tpu.dma_semaphore, #tpu.memory_space<semaphore_mem>>) src(%dma_wait3A_175 : memref<100000x128xf32, #tpu.memory_space<hbm>>) dst(%dma_wait3A_171 : memref<200x128xf32, #tpu.memory_space<vmem>>)
      %mul3A_176 = arith.constant 200 : i32
      %mul3A_177 = arith.muli %add3A_164, %mul3A_176 : i32
      %add3A_178 = arith.addi %mul3A_2, %mul3A_177 : i32
      %dma_start3A_179 = arith.constant 2 : i32
      %dma_start3A_180 = arith.constant 0 : i32
      %dma_start3A_181 = arith.constant 0 : i32
      %dma_start3A_182 = tpu.memref_slice %arg6[%dma_start3A_179, %dma_start3A_180, %dma_start3A_181] : memref<4x200x128xf32, #tpu.memory_space<vmem>> -> memref<1x200x128xf32, #tpu.memory_space<vmem>>
      %dma_start3A_183 = tpu.memref_squeeze %dma_start3A_182 : memref<1x200x128xf32, #tpu.memory_space<vmem>> -> memref<200x128xf32, #tpu.memory_space<vmem>>
      %dma_start3A_184 = arith.constant 0 : i32
      %dma_start3A_185 = tpu.memref_slice %arg4[%add3A_178, %dma_start3A_184] : memref<819200x128xf32, #tpu.memory_space<hbm>> -> memref<200x128xf32, #tpu.memory_space<hbm>>
      %dma_start3A_186 = arith.constant 0 : i32
      %dma_start3A_187 = tpu.memref_slice %arg4[%add3A_178, %dma_start3A_186] : memref<819200x128xf32, #tpu.memory_space<hbm>> -> memref<200x128xf32, #tpu.memory_space<hbm>>
      %dma_start3A_188 = arith.constant 0 : i32
      %dma_start3A_189 = arith.constant 0 : i32
      %dma_start3A_190 = tpu.memref_slice %arg6[%dma_start3A_179, %dma_start3A_188, %dma_start3A_189] : memref<4x200x128xf32, #tpu.memory_space<vmem>> -> memref<1x200x128xf32, #tpu.memory_space<vmem>>
      %dma_start3A_191 = tpu.memref_squeeze %dma_start3A_190 : memref<1x200x128xf32, #tpu.memory_space<vmem>> -> memref<200x128xf32, #tpu.memory_space<vmem>>
      tpu.enqueue_dma source(%dma_start3A_191 : memref<200x128xf32, #tpu.memory_space<vmem>>) target(%dma_start3A_187 : memref<200x128xf32, #tpu.memory_space<hbm>>) target_semaphore(%arg14 : memref<!tpu.dma_semaphore, #tpu.memory_space<semaphore_mem>>)
      %add3A_192 = arith.constant 2 : i32
      %add3A_193 = arith.addi %add3A_164, %add3A_192 : i32
      %lt3A_194 = arith.constant 128 : i32
      %lt3A_195 = arith.cmpi slt, %add3A_193, %lt3A_194 : i32
      %convert_element_type3A_196 = arith.extui %lt3A_195 : i1 to i32
      %cond3A_197 = arith.constant 0 : i32
      %cond3A_198 = arith.cmpi ne, %convert_element_type3A_196, %cond3A_197 : i32
      scf.if %cond3A_198 {
        %ge3A = arith.constant 4 : i32
        %ge3A_235 = arith.cmpi sge, %add3A_193, %ge3A : i32
        %convert_element_type3A_236 = arith.extui %ge3A_235 : i1 to i32
        %cond3A_237 = arith.constant 0 : i32
        %cond3A_238 = arith.cmpi ne, %convert_element_type3A_236, %cond3A_237 : i32
        scf.if %cond3A_238 {
          %sub3A = arith.constant 4 : i32
          %sub3A_250 = arith.subi %add3A_193, %sub3A : i32
          %mul3A_251 = arith.constant 200 : i32
          %mul3A_252 = arith.muli %sub3A_250, %mul3A_251 : i32
          %add3A_253 = arith.addi %mul3A_2, %mul3A_252 : i32
          %dma_wait3A_254 = arith.constant 0 : i32
          %dma_wait3A_255 = arith.constant 0 : i32
          %dma_wait3A_256 = arith.constant 0 : i32
          %dma_wait3A_257 = tpu.memref_slice %arg6[%dma_wait3A_254, %dma_wait3A_255, %dma_wait3A_256] : memref<4x200x128xf32, #tpu.memory_space<vmem>> -> memref<1x200x128xf32, #tpu.memory_space<vmem>>
          %dma_wait3A_258 = tpu.memref_squeeze %dma_wait3A_257 : memref<1x200x128xf32, #tpu.memory_space<vmem>> -> memref<200x128xf32, #tpu.memory_space<vmem>>
          %dma_wait3A_259 = arith.constant 0 : i32
          %dma_wait3A_260 = tpu.memref_slice %arg4[%add3A_253, %dma_wait3A_259] : memref<819200x128xf32, #tpu.memory_space<hbm>> -> memref<200x128xf32, #tpu.memory_space<hbm>>
          %dma_wait3A_261 = arith.constant 0 : i32
          %dma_wait3A_262 = tpu.memref_slice %arg4[%add3A_253, %dma_wait3A_261] : memref<819200x128xf32, #tpu.memory_space<hbm>> -> memref<200x128xf32, #tpu.memory_space<hbm>>
          %dma_wait3A_263 = arith.constant 0 : i32
          %dma_wait3A_264 = arith.constant 0 : i32
          %dma_wait3A_265 = tpu.memref_slice %arg6[%dma_wait3A_254, %dma_wait3A_263, %dma_wait3A_264] : memref<4x200x128xf32, #tpu.memory_space<vmem>> -> memref<1x200x128xf32, #tpu.memory_space<vmem>>
          %dma_wait3A_266 = tpu.memref_squeeze %dma_wait3A_265 : memref<1x200x128xf32, #tpu.memory_space<vmem>> -> memref<200x128xf32, #tpu.memory_space<vmem>>
          tpu.wait_dma2 semaphore(%arg12 : memref<!tpu.dma_semaphore, #tpu.memory_space<semaphore_mem>>) src(%dma_wait3A_266 : memref<200x128xf32, #tpu.memory_space<vmem>>) dst(%dma_wait3A_262 : memref<200x128xf32, #tpu.memory_space<hbm>>)
        } else {
        }
        %mul3A_239 = arith.constant 200 : i32
        %mul3A_240 = arith.muli %add3A_193, %mul3A_239 : i32
        %dma_start3A_241 = arith.constant 0 : i32
        %dma_start3A_242 = arith.constant 0 : i32
        %dma_start3A_243 = arith.constant 0 : i32
        %dma_start3A_244 = tpu.memref_slice %arg6[%dma_start3A_241, %dma_start3A_242, %dma_start3A_243] : memref<4x200x128xf32, #tpu.memory_space<vmem>> -> memref<1x200x128xf32, #tpu.memory_space<vmem>>
        %dma_start3A_245 = tpu.memref_squeeze %dma_start3A_244 : memref<1x200x128xf32, #tpu.memory_space<vmem>> -> memref<200x128xf32, #tpu.memory_space<vmem>>
        %dma_start3A_246 = tpu.memref_slice %arg5[%mul3A_240] : memref<25600xi32, #tpu.memory_space<vmem>> -> memref<200xi32, #tpu.memory_space<vmem>>
        %dma_start3A_247 = arith.constant 0 : i32
        %dma_start3A_248 = arith.constant 0 : i32
        %dma_start3A_249 = tpu.memref_slice %arg2[%dma_start3A_247, %dma_start3A_248] : memref<100000x128xf32, #tpu.memory_space<hbm>> -> memref<100000x128xf32, #tpu.memory_space<hbm>>
        tpu.enqueue_indirect_dma source(%dma_start3A_249 : memref<100000x128xf32, #tpu.memory_space<hbm>>) target(%dma_start3A_245 : memref<200x128xf32, #tpu.memory_space<vmem>>) offsets(%dma_start3A_246 : memref<200xi32, #tpu.memory_space<vmem>>) semaphore(%arg8 : memref<!tpu.dma_semaphore, #tpu.memory_space<semaphore_mem>>)
      } else {
      }
      %add3A_199 = arith.constant 3 : i32
      %add3A_200 = arith.addi %add3A_93, %add3A_199 : i32
      %mul3A_201 = arith.constant 200 : i32
      %mul3A_202 = arith.muli %add3A_200, %mul3A_201 : i32
      %dma_wait3A_203 = arith.constant 3 : i32
      %dma_wait3A_204 = arith.constant 0 : i32
      %dma_wait3A_205 = arith.constant 0 : i32
      %dma_wait3A_206 = tpu.memref_slice %arg6[%dma_wait3A_203, %dma_wait3A_204, %dma_wait3A_205] : memref<4x200x128xf32, #tpu.memory_space<vmem>> -> memref<1x200x128xf32, #tpu.memory_space<vmem>>
      %dma_wait3A_207 = tpu.memref_squeeze %dma_wait3A_206 : memref<1x200x128xf32, #tpu.memory_space<vmem>> -> memref<200x128xf32, #tpu.memory_space<vmem>>
      %dma_wait3A_208 = tpu.memref_slice %arg5[%mul3A_202] : memref<25600xi32, #tpu.memory_space<vmem>> -> memref<200xi32, #tpu.memory_space<vmem>>
      %dma_wait3A_209 = arith.constant 0 : i32
      %dma_wait3A_210 = arith.constant 0 : i32
      %dma_wait3A_211 = tpu.memref_slice %arg2[%dma_wait3A_209, %dma_wait3A_210] : memref<100000x128xf32, #tpu.memory_space<hbm>> -> memref<100000x128xf32, #tpu.memory_space<hbm>>
      tpu.wait_indirect_dma semaphore(%arg11 : memref<!tpu.dma_semaphore, #tpu.memory_space<semaphore_mem>>) src(%dma_wait3A_211 : memref<100000x128xf32, #tpu.memory_space<hbm>>) dst(%dma_wait3A_207 : memref<200x128xf32, #tpu.memory_space<vmem>>)
      %mul3A_212 = arith.constant 200 : i32
      %mul3A_213 = arith.muli %add3A_200, %mul3A_212 : i32
      %add3A_214 = arith.addi %mul3A_2, %mul3A_213 : i32
      %dma_start3A_215 = arith.constant 3 : i32
      %dma_start3A_216 = arith.constant 0 : i32
      %dma_start3A_217 = arith.constant 0 : i32
      %dma_start3A_218 = tpu.memref_slice %arg6[%dma_start3A_215, %dma_start3A_216, %dma_start3A_217] : memref<4x200x128xf32, #tpu.memory_space<vmem>> -> memref<1x200x128xf32, #tpu.memory_space<vmem>>
      %dma_start3A_219 = tpu.memref_squeeze %dma_start3A_218 : memref<1x200x128xf32, #tpu.memory_space<vmem>> -> memref<200x128xf32, #tpu.memory_space<vmem>>
      %dma_start3A_220 = arith.constant 0 : i32
      %dma_start3A_221 = tpu.memref_slice %arg4[%add3A_214, %dma_start3A_220] : memref<819200x128xf32, #tpu.memory_space<hbm>> -> memref<200x128xf32, #tpu.memory_space<hbm>>
      %dma_start3A_222 = arith.constant 0 : i32
      %dma_start3A_223 = tpu.memref_slice %arg4[%add3A_214, %dma_start3A_222] : memref<819200x128xf32, #tpu.memory_space<hbm>> -> memref<200x128xf32, #tpu.memory_space<hbm>>
      %dma_start3A_224 = arith.constant 0 : i32
      %dma_start3A_225 = arith.constant 0 : i32
      %dma_start3A_226 = tpu.memref_slice %arg6[%dma_start3A_215, %dma_start3A_224, %dma_start3A_225] : memref<4x200x128xf32, #tpu.memory_space<vmem>> -> memref<1x200x128xf32, #tpu.memory_space<vmem>>
      %dma_start3A_227 = tpu.memref_squeeze %dma_start3A_226 : memref<1x200x128xf32, #tpu.memory_space<vmem>> -> memref<200x128xf32, #tpu.memory_space<vmem>>
      tpu.enqueue_dma source(%dma_start3A_227 : memref<200x128xf32, #tpu.memory_space<vmem>>) target(%dma_start3A_223 : memref<200x128xf32, #tpu.memory_space<hbm>>) target_semaphore(%arg15 : memref<!tpu.dma_semaphore, #tpu.memory_space<semaphore_mem>>)
      %add3A_228 = arith.constant 2 : i32
      %add3A_229 = arith.addi %add3A_200, %add3A_228 : i32
      %lt3A_230 = arith.constant 128 : i32
      %lt3A_231 = arith.cmpi slt, %add3A_229, %lt3A_230 : i32
      %convert_element_type3A_232 = arith.extui %lt3A_231 : i1 to i32
      %cond3A_233 = arith.constant 0 : i32
      %cond3A_234 = arith.cmpi ne, %convert_element_type3A_232, %cond3A_233 : i32
      scf.if %cond3A_234 {
        %ge3A = arith.constant 4 : i32
        %ge3A_235 = arith.cmpi sge, %add3A_229, %ge3A : i32
        %convert_element_type3A_236 = arith.extui %ge3A_235 : i1 to i32
        %cond3A_237 = arith.constant 0 : i32
        %cond3A_238 = arith.cmpi ne, %convert_element_type3A_236, %cond3A_237 : i32
        scf.if %cond3A_238 {
          %sub3A = arith.constant 4 : i32
          %sub3A_250 = arith.subi %add3A_229, %sub3A : i32
          %mul3A_251 = arith.constant 200 : i32
          %mul3A_252 = arith.muli %sub3A_250, %mul3A_251 : i32
          %add3A_253 = arith.addi %mul3A_2, %mul3A_252 : i32
          %dma_wait3A_254 = arith.constant 1 : i32
          %dma_wait3A_255 = arith.constant 0 : i32
          %dma_wait3A_256 = arith.constant 0 : i32
          %dma_wait3A_257 = tpu.memref_slice %arg6[%dma_wait3A_254, %dma_wait3A_255, %dma_wait3A_256] : memref<4x200x128xf32, #tpu.memory_space<vmem>> -> memref<1x200x128xf32, #tpu.memory_space<vmem>>
          %dma_wait3A_258 = tpu.memref_squeeze %dma_wait3A_257 : memref<1x200x128xf32, #tpu.memory_space<vmem>> -> memref<200x128xf32, #tpu.memory_space<vmem>>
          %dma_wait3A_259 = arith.constant 0 : i32
          %dma_wait3A_260 = tpu.memref_slice %arg4[%add3A_253, %dma_wait3A_259] : memref<819200x128xf32, #tpu.memory_space<hbm>> -> memref<200x128xf32, #tpu.memory_space<hbm>>
          %dma_wait3A_261 = arith.constant 0 : i32
          %dma_wait3A_262 = tpu.memref_slice %arg4[%add3A_253, %dma_wait3A_261] : memref<819200x128xf32, #tpu.memory_space<hbm>> -> memref<200x128xf32, #tpu.memory_space<hbm>>
          %dma_wait3A_263 = arith.constant 0 : i32
          %dma_wait3A_264 = arith.constant 0 : i32
          %dma_wait3A_265 = tpu.memref_slice %arg6[%dma_wait3A_254, %dma_wait3A_263, %dma_wait3A_264] : memref<4x200x128xf32, #tpu.memory_space<vmem>> -> memref<1x200x128xf32, #tpu.memory_space<vmem>>
          %dma_wait3A_266 = tpu.memref_squeeze %dma_wait3A_265 : memref<1x200x128xf32, #tpu.memory_space<vmem>> -> memref<200x128xf32, #tpu.memory_space<vmem>>
          tpu.wait_dma2 semaphore(%arg13 : memref<!tpu.dma_semaphore, #tpu.memory_space<semaphore_mem>>) src(%dma_wait3A_266 : memref<200x128xf32, #tpu.memory_space<vmem>>) dst(%dma_wait3A_262 : memref<200x128xf32, #tpu.memory_space<hbm>>)
        } else {
        }
        %mul3A_239 = arith.constant 200 : i32
        %mul3A_240 = arith.muli %add3A_229, %mul3A_239 : i32
        %dma_start3A_241 = arith.constant 1 : i32
        %dma_start3A_242 = arith.constant 0 : i32
        %dma_start3A_243 = arith.constant 0 : i32
        %dma_start3A_244 = tpu.memref_slice %arg6[%dma_start3A_241, %dma_start3A_242, %dma_start3A_243] : memref<4x200x128xf32, #tpu.memory_space<vmem>> -> memref<1x200x128xf32, #tpu.memory_space<vmem>>
        %dma_start3A_245 = tpu.memref_squeeze %dma_start3A_244 : memref<1x200x128xf32, #tpu.memory_space<vmem>> -> memref<200x128xf32, #tpu.memory_space<vmem>>
        %dma_start3A_246 = tpu.memref_slice %arg5[%mul3A_240] : memref<25600xi32, #tpu.memory_space<vmem>> -> memref<200xi32, #tpu.memory_space<vmem>>
        %dma_start3A_247 = arith.constant 0 : i32
        %dma_start3A_248 = arith.constant 0 : i32
        %dma_start3A_249 = tpu.memref_slice %arg2[%dma_start3A_247, %dma_start3A_248] : memref<100000x128xf32, #tpu.memory_space<hbm>> -> memref<100000x128xf32, #tpu.memory_space<hbm>>
        tpu.enqueue_indirect_dma source(%dma_start3A_249 : memref<100000x128xf32, #tpu.memory_space<hbm>>) target(%dma_start3A_245 : memref<200x128xf32, #tpu.memory_space<vmem>>) offsets(%dma_start3A_246 : memref<200xi32, #tpu.memory_space<vmem>>) semaphore(%arg9 : memref<!tpu.dma_semaphore, #tpu.memory_space<semaphore_mem>>)
      } else {
      }
    }
    %scan3A_28 = arith.constant 32 : i32
    %add3A_29 = arith.constant 24800 : i32
    %add3A_30 = arith.addi %mul3A_2, %add3A_29 : i32
    %dma_wait3A_31 = arith.constant 0 : i32
    %dma_wait3A_32 = arith.constant 0 : i32
    %dma_wait3A_33 = arith.constant 0 : i32
    %dma_wait3A_34 = tpu.memref_slice %arg6[%dma_wait3A_31, %dma_wait3A_32, %dma_wait3A_33] : memref<4x200x128xf32, #tpu.memory_space<vmem>> -> memref<1x200x128xf32, #tpu.memory_space<vmem>>
    %dma_wait3A_35 = tpu.memref_squeeze %dma_wait3A_34 : memref<1x200x128xf32, #tpu.memory_space<vmem>> -> memref<200x128xf32, #tpu.memory_space<vmem>>
    %dma_wait3A_36 = arith.constant 0 : i32
    %dma_wait3A_37 = tpu.memref_slice %arg4[%add3A_30, %dma_wait3A_36] : memref<819200x128xf32, #tpu.memory_space<hbm>> -> memref<200x128xf32, #tpu.memory_space<hbm>>
    %dma_wait3A_38 = arith.constant 0 : i32
    %dma_wait3A_39 = tpu.memref_slice %arg4[%add3A_30, %dma_wait3A_38] : memref<819200x128xf32, #tpu.memory_space<hbm>> -> memref<200x128xf32, #tpu.memory_space<hbm>>
    %dma_wait3A_40 = arith.constant 0 : i32
    %dma_wait3A_41 = arith.constant 0 : i32
    %dma_wait3A_42 = tpu.memref_slice %arg6[%dma_wait3A_31, %dma_wait3A_40, %dma_wait3A_41] : memref<4x200x128xf32, #tpu.memory_space<vmem>> -> memref<1x200x128xf32, #tpu.memory_space<vmem>>
    %dma_wait3A_43 = tpu.memref_squeeze %dma_wait3A_42 : memref<1x200x128xf32, #tpu.memory_space<vmem>> -> memref<200x128xf32, #tpu.memory_space<vmem>>
    tpu.wait_dma2 semaphore(%arg12 : memref<!tpu.dma_semaphore, #tpu.memory_space<semaphore_mem>>) src(%dma_wait3A_43 : memref<200x128xf32, #tpu.memory_space<vmem>>) dst(%dma_wait3A_39 : memref<200x128xf32, #tpu.memory_space<hbm>>)
    %add3A_44 = arith.constant 25000 : i32
    %add3A_45 = arith.addi %mul3A_2, %add3A_44 : i32
    %dma_wait3A_46 = arith.constant 1 : i32
    %dma_wait3A_47 = arith.constant 0 : i32
    %dma_wait3A_48 = arith.constant 0 : i32
    %dma_wait3A_49 = tpu.memref_slice %arg6[%dma_wait3A_46, %dma_wait3A_47, %dma_wait3A_48] : memref<4x200x128xf32, #tpu.memory_space<vmem>> -> memref<1x200x128xf32, #tpu.memory_space<vmem>>
    %dma_wait3A_50 = tpu.memref_squeeze %dma_wait3A_49 : memref<1x200x128xf32, #tpu.memory_space<vmem>> -> memref<200x128xf32, #tpu.memory_space<vmem>>
    %dma_wait3A_51 = arith.constant 0 : i32
    %dma_wait3A_52 = tpu.memref_slice %arg4[%add3A_45, %dma_wait3A_51] : memref<819200x128xf32, #tpu.memory_space<hbm>> -> memref<200x128xf32, #tpu.memory_space<hbm>>
    %dma_wait3A_53 = arith.constant 0 : i32
    %dma_wait3A_54 = tpu.memref_slice %arg4[%add3A_45, %dma_wait3A_53] : memref<819200x128xf32, #tpu.memory_space<hbm>> -> memref<200x128xf32, #tpu.memory_space<hbm>>
    %dma_wait3A_55 = arith.constant 0 : i32
    %dma_wait3A_56 = arith.constant 0 : i32
    %dma_wait3A_57 = tpu.memref_slice %arg6[%dma_wait3A_46, %dma_wait3A_55, %dma_wait3A_56] : memref<4x200x128xf32, #tpu.memory_space<vmem>> -> memref<1x200x128xf32, #tpu.memory_space<vmem>>
    %dma_wait3A_58 = tpu.memref_squeeze %dma_wait3A_57 : memref<1x200x128xf32, #tpu.memory_space<vmem>> -> memref<200x128xf32, #tpu.memory_space<vmem>>
    tpu.wait_dma2 semaphore(%arg13 : memref<!tpu.dma_semaphore, #tpu.memory_space<semaphore_mem>>) src(%dma_wait3A_58 : memref<200x128xf32, #tpu.memory_space<vmem>>) dst(%dma_wait3A_54 : memref<200x128xf32, #tpu.memory_space<hbm>>)
    %add3A_59 = arith.constant 25200 : i32
    %add3A_60 = arith.addi %mul3A_2, %add3A_59 : i32
    %dma_wait3A_61 = arith.constant 2 : i32
    %dma_wait3A_62 = arith.constant 0 : i32
    %dma_wait3A_63 = arith.constant 0 : i32
    %dma_wait3A_64 = tpu.memref_slice %arg6[%dma_wait3A_61, %dma_wait3A_62, %dma_wait3A_63] : memref<4x200x128xf32, #tpu.memory_space<vmem>> -> memref<1x200x128xf32, #tpu.memory_space<vmem>>
    %dma_wait3A_65 = tpu.memref_squeeze %dma_wait3A_64 : memref<1x200x128xf32, #tpu.memory_space<vmem>> -> memref<200x128xf32, #tpu.memory_space<vmem>>
    %dma_wait3A_66 = arith.constant 0 : i32
    %dma_wait3A_67 = tpu.memref_slice %arg4[%add3A_60, %dma_wait3A_66] : memref<819200x128xf32, #tpu.memory_space<hbm>> -> memref<200x128xf32, #tpu.memory_space<hbm>>
    %dma_wait3A_68 = arith.constant 0 : i32
    %dma_wait3A_69 = tpu.memref_slice %arg4[%add3A_60, %dma_wait3A_68] : memref<819200x128xf32, #tpu.memory_space<hbm>> -> memref<200x128xf32, #tpu.memory_space<hbm>>
    %dma_wait3A_70 = arith.constant 0 : i32
    %dma_wait3A_71 = arith.constant 0 : i32
    %dma_wait3A_72 = tpu.memref_slice %arg6[%dma_wait3A_61, %dma_wait3A_70, %dma_wait3A_71] : memref<4x200x128xf32, #tpu.memory_space<vmem>> -> memref<1x200x128xf32, #tpu.memory_space<vmem>>
    %dma_wait3A_73 = tpu.memref_squeeze %dma_wait3A_72 : memref<1x200x128xf32, #tpu.memory_space<vmem>> -> memref<200x128xf32, #tpu.memory_space<vmem>>
    tpu.wait_dma2 semaphore(%arg14 : memref<!tpu.dma_semaphore, #tpu.memory_space<semaphore_mem>>) src(%dma_wait3A_73 : memref<200x128xf32, #tpu.memory_space<vmem>>) dst(%dma_wait3A_69 : memref<200x128xf32, #tpu.memory_space<hbm>>)
    %add3A_74 = arith.constant 25400 : i32
    %add3A_75 = arith.addi %mul3A_2, %add3A_74 : i32
    %dma_wait3A_76 = arith.constant 3 : i32
    %dma_wait3A_77 = arith.constant 0 : i32
    %dma_wait3A_78 = arith.constant 0 : i32
    %dma_wait3A_79 = tpu.memref_slice %arg6[%dma_wait3A_76, %dma_wait3A_77, %dma_wait3A_78] : memref<4x200x128xf32, #tpu.memory_space<vmem>> -> memref<1x200x128xf32, #tpu.memory_space<vmem>>
    %dma_wait3A_80 = tpu.memref_squeeze %dma_wait3A_79 : memref<1x200x128xf32, #tpu.memory_space<vmem>> -> memref<200x128xf32, #tpu.memory_space<vmem>>
    %dma_wait3A_81 = arith.constant 0 : i32
    %dma_wait3A_82 = tpu.memref_slice %arg4[%add3A_75, %dma_wait3A_81] : memref<819200x128xf32, #tpu.memory_space<hbm>> -> memref<200x128xf32, #tpu.memory_space<hbm>>
    %dma_wait3A_83 = arith.constant 0 : i32
    %dma_wait3A_84 = tpu.memref_slice %arg4[%add3A_75, %dma_wait3A_83] : memref<819200x128xf32, #tpu.memory_space<hbm>> -> memref<200x128xf32, #tpu.memory_space<hbm>>
    %dma_wait3A_85 = arith.constant 0 : i32
    %dma_wait3A_86 = arith.constant 0 : i32
    %dma_wait3A_87 = tpu.memref_slice %arg6[%dma_wait3A_76, %dma_wait3A_85, %dma_wait3A_86] : memref<4x200x128xf32, #tpu.memory_space<vmem>> -> memref<1x200x128xf32, #tpu.memory_space<vmem>>
    %dma_wait3A_88 = tpu.memref_squeeze %dma_wait3A_87 : memref<1x200x128xf32, #tpu.memory_space<vmem>> -> memref<200x128xf32, #tpu.memory_space<vmem>>
    tpu.wait_dma2 semaphore(%arg15 : memref<!tpu.dma_semaphore, #tpu.memory_space<semaphore_mem>>) src(%dma_wait3A_88 : memref<200x128xf32, #tpu.memory_space<vmem>>) dst(%dma_wait3A_84 : memref<200x128xf32, #tpu.memory_space<hbm>>)
    return
  }
}

</mosaic_0001>

<sc_bundles>
// kernel: kernel.3.cloned.1.call-start
scs
__scs_entry_jumppad:
0x0: {  	(pc) =	sbr.rel $0x88, $3  }
0x1: {  	(tag) =	ssettag $0x0;
	lr =	simm.s32 $0x1  }
0x2: {  	[smem:$0x3F9F] =	sst lr;
	_ =	strace $0xD0000000  }
0x3: {  	_ = 	snop  }
0x4: {  	_ = 	snop  }
0x5: {  	_ = 	snop  }
0x6: {  	_ = 	snop  }
0x7: {  	_ = 	snop  }
__scs_overlays_trampoline_lowered:
0x8: {  	[smem:$0x3FAE] =	sst s0  }
0x9: {  	[smem:$0x3FAF] =	sst s1  }
0xa: {  	[smem:$0x3FB0] =	sst s2  }
0xb: {  	[smem:$0x3FB1] =	sst s3  }
0xc: {  	[smem:$0x3FB2] =	sst s4  }
0xd: {  	[smem:$0x3FB3] =	sst s5  }
0xe: {  	[smem:$0x3FB4] =	sst s6  }
0xf: {  	[smem:$0x3FB5] =	sst s7  }
0x10: {  	[smem:$0x3FB6] =	sst s8  }
0x11: {  	[smem:$0x3FB7] =	sst s9;
	s0 =	simm.s32 @!p0 $0x0  }
0x12: {  	s1 =	sld [smem:$0x3F9D];
	s0 =	simm.s32 @p0 $0x1  }
0x13: {  	[smem:$0x3FB8] =	sst s0;
	s0 =	simm.s32 @!p1 $0x0  }
0x14: {  	s2 =	sld [smem:$0x3F9C];
	s0 =	simm.s32 @p1 $0x1  }
0x15: {  	[smem:$0x3FB9] =	sst s0;
	s0 =	simm.s32 @!p2 $0x0  }
0x16: {  	s3 =	sld [smem:$0x3FDB];
	s0 =	simm.s32 @p2 $0x1  }
0x17: {  	s4 =	simm.s32 $0x1BF5;
	[smem:$0x3FBB] =	sst s0  }
0x18: {  	s0 =	sld [smem:$0x3F9E];
	_ =	swait.ge [sflag:s4], $0x0  }
0x19: {  	s7 =	sld [smem:$0x3F9F]  }
0x1a: {  	s8 =	sadd.s32 $0xFFFFE003, lr  }
0x1b: {  	s9 =	sadd.s32 $0xFFFFFEF7, lr;
	s5 =	simm.s32 $0xFFFFFFFF;
	p2 =	slt.u32 s8, $0xFFFFF086  }
0x1c: {  	p1 =	slt.u32 s9, $0xF7A;
	s5 =	simm.s32 @!p2 $0x0  }
0x1d: {  	s5 =	simm.s32 @p1 $0x1;
	p0 =	seq.s32 s7, s2  }
0x1e: {  	s7 =	smul.u32 @!p0 $0xF7A, s2;
	p2 =	seq.s32 @!p0 s5, $0x0  }
0x1f: {  	s9 =	smul.u32 $0xF7A, s1;
	s8 =	simm.s32 @!p0 $0x1BF5;
	p2 =	por !p2, p0  }
0x20: {  	[sflag:s8] =	ssyncset.s32 @!p0 $0xFFFFF086;
	s6 =	sadd.s32 @!p0 s3, s7;
	s7 =	simm.s32 @!p0 $0x108  }
0x21: {  	s3 =	sadd.s32 s3, s9;
	s6 =	sadd.s32 @!p0 $0x88, s6;
	s7 =	simm.s32 @p2 $0x1082  }
0x22: {  	[simem:s7], [sflag:s8] =	dma.local @!p0 [hbm:s6], $0xF7A  }
0x23: {  	s9 =	sor.u32 $0xD0000000, s2;
	s6 =	simm.s32 $0x108;
	_ =	swait.ge @!p0 [sflag:s8], $0x0  }
0x24: {  	s3 =	sadd.s32 $0x88, s3;
	s6 =	simm.s32 @!p1 $0x1082;
	[sflag:s4] =	ssyncset.s32 $0xFFFFF086  }
0x25: {  	[simem:s6], [sflag:s4] =	dma.local [hbm:s3], $0xF7A  }
0x26: {  	[smem:$0x3F9F] =	sst s1;
	(tag) =	ssettag s2;
	_ =	strace s9  }
0x27: {  	s1 =	sld [smem:$0x3FAF]  }
0x28: {  	s2 =	sld [smem:$0x3FB0]  }
0x29: {  	s4 =	sld [smem:$0x3FB2]  }
0x2a: {  	p0 =	seq.s32 s5, $0x0;
	s5 =	sld [smem:$0x3FB3]  }
0x2b: {  	s6 =	sld [smem:$0x3FB4]  }
0x2c: {  	s7 =	sld [smem:$0x3FB5]  }
0x2d: {  	s3 =	simm.s32 $0x108;
	s8 =	sld [smem:$0x3FB6]  }
0x2e: {  	s3 =	simm.s32 @!p0 $0x1082;
	s9 =	sld [smem:$0x3FB7]  }
0x2f: {  	lr =	sadd.s32 s0, s3;
	s0 =	sld [smem:$0x3FAE]  }
0x30: {  	s3 =	sld [smem:$0x3FB1]  }
0x31: {  	[smem:$0x3FBA] =	sst s10  }
0x32: {  	s10 =	sld [smem:$0x3FB8];
	_ =	sdelay $0x3  }
0x33: {  	p0 =	seq.s32 s10, $0x1;
	s10 =	sld [smem:$0x3FBA];
	_ =	sdelay $0x3  }
0x34: {  	[smem:$0x3FBA] =	sst s10  }
0x35: {  	s10 =	sld [smem:$0x3FB9];
	_ =	sdelay $0x3  }
0x36: {  	p1 =	seq.s32 s10, $0x1;
	s10 =	sld [smem:$0x3FBA];
	_ =	sdelay $0x3  }
0x37: {  	[smem:$0x3FBA] =	sst s10  }
0x38: {  	s10 =	sld [smem:$0x3FBB]  }
0x39: {  	_ = 	snop;
	(pc) =	sbr.ind lr, $3  }
0x3a: {  	_ = 	snop  }
0x3b: {  	_ = 	snop  }
0x3c: {  	p2 =	seq.s32 s10, $0x1;
	s10 =	sld [smem:$0x3FBA]  }
0x3d: {  	_ =	shalt  }
0x3e: {  	_ =	shalt  }
0x3f: {  	_ =	shalt  }
0x40: {  	_ =	shalt  }
0x41: {  	_ =	shalt  }
0x42: {  	_ =	shalt  }
0x43: {  	_ =	shalt  }
0x44: {  	_ =	shalt  }
0x45: {  	_ =	shalt  }
0x46: {  	_ =	shalt  }
0x47: {  	_ =	shalt  }
0x48: {  	_ =	shalt  }
0x49: {  	_ =	shalt  }
0x4a: {  	_ =	shalt  }
0x4b: {  	_ =	shalt  }
0x4c: {  	_ =	shalt  }
0x4d: {  	_ =	shalt  }
0x4e: {  	_ =	shalt  }
0x4f: {  	_ =	shalt  }
0x50: {  	_ =	shalt  }
0x51: {  	_ =	shalt  }
0x52: {  	_ =	shalt  }
0x53: {  	_ =	shalt  }
0x54: {  	_ =	shalt  }
0x55: {  	_ =	shalt  }
0x56: {  	_ =	shalt  }
0x57: {  	_ =	shalt  }
0x58: {  	_ =	shalt  }
0x59: {  	_ =	shalt  }
0x5a: {  	_ =	shalt  }
0x5b: {  	_ =	shalt  }
0x5c: {  	_ =	shalt  }
0x5d: {  	_ =	shalt  }
0x5e: {  	_ =	shalt  }
0x5f: {  	_ =	shalt  }
0x60: {  	_ =	shalt  }
0x61: {  	_ =	shalt  }
0x62: {  	_ =	shalt  }
0x63: {  	_ =	shalt  }
0x64: {  	_ =	shalt  }
0x65: {  	_ =	shalt  }
0x66: {  	_ =	shalt  }
0x67: {  	_ =	shalt  }
0x68: {  	_ =	shalt  }
0x69: {  	_ =	shalt  }
0x6a: {  	_ =	shalt  }
0x6b: {  	_ =	shalt  }
0x6c: {  	_ =	shalt  }
0x6d: {  	_ =	shalt  }
0x6e: {  	_ =	shalt  }
0x6f: {  	_ =	shalt  }
0x70: {  	_ =	shalt  }
0x71: {  	_ =	shalt  }
0x72: {  	_ =	shalt  }
0x73: {  	_ =	shalt  }
0x74: {  	_ =	shalt  }
0x75: {  	_ =	shalt  }
0x76: {  	_ =	shalt  }
0x77: {  	_ =	shalt  }
0x78: {  	_ =	shalt  }
0x79: {  	_ =	shalt  }
0x7a: {  	_ =	shalt  }
0x7b: {  	_ =	shalt  }
0x7c: {  	_ =	shalt  }
0x7d: {  	_ =	shalt  }
0x7e: {  	_ =	shalt  }
0x7f: {  	_ =	shalt  }
0x80: {  	_ =	shalt  }
0x81: {  	_ =	shalt  }
0x82: {  	_ =	shalt  }
0x83: {  	_ =	shalt  }
0x84: {  	_ =	shalt  }
0x85: {  	_ =	shalt  }
0x86: {  	_ =	shalt  }
0x87: {  	_ =	shalt  }
.Lfunc_end0:
.L_simem_size_0:
called_computation_lowered:
.L_overlay_start_0:
0x88: {  	s2 =	sld [smem:$0x3FD9]  }
0x89: {  	s3 =	sld [smem:$0x3FFE];
	_ =	sdelay $0x1  }
0x8a: {  	s1 =	srdreg.scid  }
0x8b: {  	s0 =	sand.u32 $0x1, s1  }
0x8c: {  	s17 =	sshll.u32 s0, $0xA;
	s2 =	sadd.s32 s3, s2  }
0x8d: {  	s2 =	sadd.s32 s2, s17  }
0x8e: {  	[smem:$0x3FC6] =	sst s2  }
0x8f: {  	_ = 	snop  }
0x90: {  	s2 =	sld [smem:$0x3FC8]  }
0x91: {  	s18 =	sld [smem:$0x3FD0];
	(tm) =	ssettm $0x1  }
0x92: {  	s4 =	sld [smem:$0x3FFB];
	_ =	sdelay $0x3  }
0x93: {  	_ =	strace s4  }
0x94: {  	s4 =	sld [smem:$0x3FFC];
	_ =	sdelay $0x3  }
0x95: {  	_ =	strace s4  }
0x96: {  	s4 =	sld [smem:$0x3FFD];
	_ =	sdelay $0x3  }
0x97: {  	_ =	strace s4  }
0x98: {  	_ =	strace $0x8FFFFFFF  }
0x99: {  	s19 =	sld [smem:$0x3FDB];
	_ =	sdelay $0x1  }
0x9a: {  	s5 =	simm.s32 $_scs_section_size  }
0x9b: {  	s6 =	simm.s32 $_size__tile_overlayer_lowered;
	s7 =	simm.s32 $_tile_overlayer_lowered  }
0x9c: {  	s22 =	simm.s32 $0x1BFF;
	s21 =	sshll.u32 s7, $0x1;
	s4 =	sadd.s32 s5, s19  }
0x9d: {  	s8 =	simm.s32 $0x0;
	s20 =	sshll.u32 s6, $0x1;
	s6 =	sadd.s32 s21, s4  }
0x9e: {  	[timem:s8], [sflag:s22] =	dma.local [hbm:s6], s20  }
0x9f: {  	_ =	swait.ge [sflag:s22], s20  }
0xa0: {  	s5 =	ssub.s32 $0x0, s20;
	[sflag:s22] =	ssyncset.done $0x0  }
0xa1: {  	[sflag:s22] =	ssyncadd.s32 s5;
	_ =	sdelay $0x1  }
0xa2: {  	s23 =	simm.s32 $0x1B8B  }
0xa3: {  	_ =	swait.ge [sflag:s23], $0x1  }
0xa4: {  	[sflag:s23] =	ssyncset.done $0x0  }
0xa5: {  	s25 =	simm.s32 $0x1B8E;
	s24 =	sld [smem:$0x3FFE];
	[sflag:s23] =	ssyncadd.s32 $0xFFFFFFFF  }
0xa6: {  	s26 =	simm.s32 $execute0_lowered;
	[smem:$0x3FD2] =	sst s25  }
0xa7: {  	s6 =	sshll.u32 s26, $0x1;
	_ =	strace $0x80000046;
	[dreg:$0x1] =	wrdreg $0xFFFFFFFF  }
0xa8: {  	s28 =	simm.s32 $_size_execute0_lowered;
	s4 =	sadd.s32 s4, s6;
	[dreg:$0x0] =	wrdreg $0x0  }
0xa9: {  	s6 =	sshll.u32 s28, $0x1;
	[dreg:$0x2] =	wrdreg s4  }
0xaa: {  	[dreg:$0x3] =	wrdreg s6  }
0xab: {  	[dreg:$0x4] =	wrdreg $0xC0  }
0xac: {  	_ =	task [dreg:s8], $0x5FFFF  }
0xad: {  	[dreg:$0x1] =	wrdreg $0xFFFFFFFF  }
0xae: {  	[dreg:$0x0] =	wrdreg $0x60  }
0xaf: {  	[dreg:$0x2] =	wrdreg s2  }
0xb0: {  	[dreg:$0x3] =	wrdreg s24  }
0xb1: {  	[dreg:$0x4] =	wrdreg s18  }
0xb2: {  	[dreg:$0x5] =	wrdreg $0x9  }
0xb3: {  	_ =	task.clear_ibuf [dreg:s8], $0x6FFFF;
	_ =	strace $0x90000046  }
0xb4: {  	s29 =	simm.s32 $0x9;
	_ =	strace $0x80000048  }
0xb5: {  	_ =	swait.ge [sflag:s29], $0x1  }
0xb6: {  	[sflag:s29] =	ssyncadd.s32 $0xFFFFFFFF  }
0xb7: {  	_ =	strace $0x90000048  }
0xb8: {  	_ =	sfence  }
0xb9: {  	s30 =	sld [smem:$0x0];
	_ =	sdelay $0x2  }
0xba: {  	s31 =	sshll.u32 s1, $0xD;
	s1 =	sshrl.u32 s1, $0x2  }
0xbb: {  	s3 =	sand.u32 $0x4000, s31;
	s1 =	sadd.s32 s1, s30  }
0xbc: {  	s0 =	sor.u32 s3, s0;
	s1 =	sshll.u32 s1, $0x11  }
0xbd: {  	s0 =	sor.u32 s1, s0  }
0xbe: {  	s0 =	sadd.s32 $0x8F2B, s0  }
0xbf: {  	[sflag:s0] =	ssyncadd.remote.s32 $0x1  }
0xc0: {  	_ =	sfence.sel $0xFFFF  }
0xc1: {  	[dreg:$0x0] =	wrdreg $0xFFFFFFFF;
	(pc) =	sbr.abs _section_cstart, $3  }
0xc2: {  	[dreg:$0x1] =	wrdreg $0xFFFFFFFF  }
0xc3: {  	_ =	task.clear_ibuf [dreg:s8], $0x2FFFF;
	_ =	strace $0x9FFFFFFF  }
0xc4: {  	(tm) =	ssettm $0x7FFFFFFF  }
0xc5: {  	_ =	shalt  }
tec
execute0_lowered:
.L_overlay_start_1:
0x0: {  	(tag) =	ssettag $0x1  }
0x1: {  	s1 =	rddreg [dreg:$0x0]  }
0x2: {  	s4 =	rddreg [dreg:$0x1]  }
0x3: {  	s2 =	srdreg.scid;
	s0 =	stileid.u32  }
0x4: {  	s5 =	rddreg [dreg:$0x2];
	s3 =	simm.s32 $0x0;
	s11 =	simm.s32 $0x2  }
0x5: {  	s12 =	simm.s32 $0x12C00;
	s13 =	simm.s32 $0x3;
	s14 =	simm.s32 $0x19000  }
0x6: {  	s15 =	simm.s32 $0x4;
	s16 =	simm.s32 $0x5;
	s17 =	simm.s32 $0x6  }
0x7: {  	s18 =	simm.s32 $0x7;
	s19 =	simm.s32 $0x8;
	s20 =	simm.s32 $0x9  }
0x8: {  	s6 =	sand.u32 $0x1, s2;
	s7 =	sshll.u32 s0, $0x1;
	s9 =	smul.u32 $0xC8000, s0  }
0x9: {  	s7 =	sor.u32 s6, s7;
	s8 =	ssub.s32 $0x2, s6;
	s6 =	smul.u32 $0x64000, s6  }
0xa: {  	s21 =	simm.s32 $0x0;
	[smem:$0x7FF] =	sst s3;
	s7 =	smul.u32 $0x6400, s7  }
.Ltmp0:
0xb: {  	s2 =	rddreg [dreg:$0x3];
	_ =	strace $0x80000047;
	(pc) =	sbr.rel .LBB2_1-.Ltmp0, $4  }
0xc: {  	s10 =	sshrl.u32 s8, $0x1;
	s31 =	sadd.s32 s9, s5;
	s9 =	simm.s32 $0x6400  }
0xd: {  	s30 =	ssub.s32 s8, s10;
	s6 =	sadd.s32 s6, s31;
	s7 =	sshrl.u32 s7, $0x3  }
0xe: {  	s8 =	simm.s32 $0xC8;
	s10 =	simm.s32 $0xC800;
	s4 =	sadd.s32 s7, s4  }
0xf: {  	s5 =	smax.u32 s30, $0x1;
	s7 =	simm.s32 $0x1;
	s4 =	sadd.s32 $0x400, s4  }
.LBB2_4:
0x10: {  	_ =	swait.ge [sflag:s17], $0x6400  }
0x11: {  	[sflag:s17] =	ssyncset.done $0x0  }
0x12: {  	[sflag:s17] =	ssyncadd.s32 $0xFFFF9C00  }
0x13: {  	_ =	swait.ge [sflag:s18], $0x6400  }
0x14: {  	[sflag:s18] =	ssyncset.done $0x0  }
0x15: {  	s21 =	sadd.s32 $0x1, s21;
	[sflag:s18] =	ssyncadd.s32 $0xFFFF9C00  }
0x16: {  	p0 =	sne.s32 s21, s5;
	_ =	swait.ge [sflag:s19], $0x6400  }
.Ltmp1:
0x17: {  	[sflag:s19] =	ssyncset.done $0x0;
	(pc) =	sbr.rel @!p0 .LBB2_5-.Ltmp1, $4  }
0x18: {  	[sflag:s19] =	ssyncadd.s32 $0xFFFF9C00  }
0x19: {  	_ =	swait.ge [sflag:s20], $0x6400  }
0x1a: {  	[sflag:s20] =	ssyncset.done $0x0  }
0x1b: {  	[sflag:s20] =	ssyncadd.s32 $0xFFFF9C00  }
.LBB2_1:
0x1c: {  	[tilespmem:s3], [sflag:$0x1] =	stream.linear.gather [hbm4b:s4+s3], $0x6400, $0x38;
	[tilespmem:$0x1F400] =	vst v63  }
0x1d: {  	_ =	swait.ge [sflag:s7], $0x6400  }
0x1e: {  	[sflag:s7] =	ssyncset.done $0x0  }
0x1f: {  	[sflag:s7] =	ssyncadd.s32 $0xFFFF9C00  }
0x20: {  	[tilespmem:s9], [sflag:$0x2] =	stream.indirect.gather [hbm4b:s1+s8], $0x80, s3, s8, $0xb8;
	[tilespmem:$0x1F400] =	vst v63  }
0x21: {  	s22 =	smov.u32 s6;
	s23 =	simm.s32 $0x0  }
0x22: {  	[tilespmem:s10], [sflag:$0x3] =	stream.indirect.gather [hbm4b:s1+s8], $0x80, s8, s8, $0xb8;
	[tilespmem:$0x1F400] =	vst v63  }
.LBB2_2:
0x23: {  	_ =	swait.ge [sflag:s11], $0x6400  }
0x24: {  	p0 =	seq.s32 s23, $0x0;
	[sflag:s11] =	ssyncset.done $0x0  }
0x25: {  	s25 =	simm.s32 @!p0 $0x8;
	[sflag:s11] =	ssyncadd.s32 $0xFFFF9C00  }
0x26: {  	[hbm4b:s22+s3] =	stream.linear.scatter [tilespmem:s9], [sflag:$0x6], $0x6400, $0x38;
	[tilespmem:$0x1F400] =	vst v63  }
0x27: {  	_ =	swait.ge @!p0 [sflag:s25], $0x6400  }
0x28: {  	s24 =	sshra.s32 s23, $0x2;
	[sflag:s25] =	ssyncset.done @!p0 $0x0  }
0x29: {  	s26 =	sadd.s32 $0x190, s24;
	[sflag:s25] =	ssyncadd.s32 @!p0 $0xFFFF9C00  }
0x2a: {  	[tilespmem:s12], [sflag:$0x4] =	stream.indirect.gather [hbm4b:s1+s8], $0x80, s26, s8, $0xb8;
	[tilespmem:$0x1F400] =	vst v63  }
0x2b: {  	_ =	swait.ge [sflag:s13], $0x6400  }
0x2c: {  	[sflag:s13] =	ssyncset.done $0x0  }
0x2d: {  	s28 =	sadd.s32 $0xC80, s22;
	s25 =	simm.s32 @!p0 $0x9;
	[sflag:s13] =	ssyncadd.s32 $0xFFFF9C00  }
0x2e: {  	[hbm4b:s28+s3] =	stream.linear.scatter [tilespmem:s10], [sflag:$0x7], $0x6400, $0x38;
	[tilespmem:$0x1F400] =	vst v63  }
0x2f: {  	_ =	swait.ge @!p0 [sflag:s25], $0x6400  }
0x30: {  	[sflag:s25] =	ssyncset.done @!p0 $0x0  }
0x31: {  	s29 =	sadd.s32 $0x258, s24;
	[sflag:s25] =	ssyncadd.s32 @!p0 $0xFFFF9C00  }
0x32: {  	[tilespmem:s14], [sflag:$0x5] =	stream.indirect.gather [hbm4b:s1+s8], $0x80, s29, s8, $0xb8;
	[tilespmem:$0x1F400] =	vst v63  }
0x33: {  	_ =	swait.ge [sflag:s15], $0x6400  }
0x34: {  	p0 =	seq.s32 s23, $0x18380;
	[sflag:s15] =	ssyncset.done $0x0  }
0x35: {  	s30 =	sadd.s32 $0x1900, s22;
	s25 =	simm.s32 @!p0 $0x6;
	[sflag:s15] =	ssyncadd.s32 $0xFFFF9C00  }
0x36: {  	[hbm4b:s30+s3] =	stream.linear.scatter [tilespmem:s12], [sflag:$0x8], $0x6400, $0x38;
	[tilespmem:$0x1F400] =	vst v63  }
0x37: {  	_ =	swait.ge @!p0 [sflag:s25], $0x6400  }
0x38: {  	[sflag:s25] =	ssyncset.done @!p0 $0x0  }
0x39: {  	[sflag:s25] =	ssyncadd.s32 @!p0 $0xFFFF9C00;
	s25 =	sshra.s32 @!p0 s23, $0x2  }
0x3a: {  	s26 =	simm.s32 @!p0 $0xC8;
	s28 =	simm.s32 @!p0 $0x6400;
	s25 =	sadd.s32 @!p0 $0x320, s25  }
0x3b: {  	[tilespmem:s28], [sflag:$0x2] =	stream.indirect.gather @!p0 [hbm4b:s1+s26], $0x80, s25, s26, $0xb8;
	[tilespmem:$0x1F400] =	vst v63  }
.Ltmp2:
0x3c: {  	_ = 	snop;
	(pc) =	sbr.rel @p0 .LBB2_4-.Ltmp2, $4  }
0x3d: {  	_ =	swait.ge [sflag:s16], $0x6400  }
0x3e: {  	[sflag:s16] =	ssyncset.done $0x0  }
0x3f: {  	s31 =	sadd.s32 $0x2580, s22;
	[sflag:s16] =	ssyncadd.s32 $0xFFFF9C00  }
0x40: {  	[hbm4b:s31+s3] =	stream.linear.scatter [tilespmem:s14], [sflag:$0x9], $0x6400, $0x38;
	[tilespmem:$0x1F400] =	vst v63  }
.Ltmp3:
0x41: {  	(pc) =	sbr.rel .LBB2_2-.Ltmp3, $4  }
0x42: {  	_ =	swait.ge [sflag:s18], $0x6400  }
0x43: {  	s24 =	sadd.s32 $0x3E8, s24;
	[sflag:s18] =	ssyncset.done $0x0  }
0x44: {  	s23 =	sadd.s32 $0xC80, s23;
	s22 =	sadd.s32 $0x3200, s22;
	[sflag:s18] =	ssyncadd.s32 $0xFFFF9C00  }
0x45: {  	[tilespmem:s10], [sflag:$0x3] =	stream.indirect.gather [hbm4b:s1+s8], $0x80, s24, s8, $0xb8;
	[tilespmem:$0x1F400] =	vst v63  }
.LBB2_5:
0x46: {  	_ =	sfence.sel $0x180000  }
0x47: {  	[bflag:$0x0] =	sbarrier.arrive $0xFFFF  }
0x48: {  	p0 =	sne.s32 s0, $0x0;
	_ =	strace $0x90000047  }
0x49: {  	s0 =	sadd.s32 @!p0 $0x100000, s2;
	[bflag:$0x2] =	sbarrier.arrive $0xFFFF  }
0x4a: {  	[sflag:s0] =	ssyncadd.tile.s32 @!p0 $0x1;
	_ =	shalt  }
.Lfunc_end2:
_tile_overlayer_lowered:
.L_overlay_start_2:
0x4b: {  	(tag) =	ssettag $0x2  }
0x4c: {  	s0 =	rddreg [dreg:$0x0];
	s2 =	stileid.u32  }
0x4d: {  	s1 =	rddreg [dreg:$0x1];
	p0 =	sne.s32 s2, $0x0  }
0x4e: {  	s3 =	rddreg [dreg:$0x2];
	[bflag:$0x3] =	sbarrier.arrive $0xFFFF;
	s2 =	simm.s32 @!p0 $0x1C0A  }
0x4f: {  	[timem:s3], [sflag:s2] =	dma.local @!p0 [hbm:s0], s1  }
0x50: {  	s0 =	simm.s32 @!p0 $0xA  }
0x51: {  	_ =	swait.ge @!p0 [sflag:s0], s1  }
0x52: {  	s1 =	ssub.s32 @!p0 $0x0, s1;
	[sflag:s0] =	ssyncset.done @!p0 $0x0  }
0x53: {  	[sflag:s0] =	ssyncadd.s32 @!p0 s1  }
0x54: {  	[bflag:$0x3] =	sbarrier.arrive $0xFFFF  }
0x55: {  	_ =	shalt  }

</sc_bundles>
